<compile_context>
chip_gen: v7x
topology: tpu7x:2x2x1
jax: 0.10.2.dev20260603
libtpu: 0.0.44.dev20260713+nightly
codegen_flags: <defaults>
</compile_context>

<pallas_src>
import jax
import jax.numpy as jnp
from jax.experimental import pallas as pl

B = 1024
H = 64
C = 10
EPS = 1e-5

TI_STATS = 8
TI_OUT = 8


def _log_softmax(y):
    m = jnp.max(y, axis=-1, keepdims=True)
    s = y - m
    return s - jnp.log(jnp.sum(jnp.exp(s), axis=-1, keepdims=True))


def _bn(x, g, b):
    m = jnp.mean(x, axis=0, keepdims=True)
    v = jnp.mean((x - m) * (x - m), axis=0, keepdims=True)
    return g * (x - m) * jax.lax.rsqrt(v + EPS) + b


def _dot_t(x, w):
    return jax.lax.dot_general(
        x, w, (((1,), (1,)), ((), ())), preferred_element_type=jnp.float32
    )


def _readout(x, g1, be1, w1, b1, g2, be2, w2, b2):
    x = _bn(x, g1, be1)
    x = jnp.maximum(_dot_t(x, w1) + b1, 0.0)
    x = _bn(x, g2, be2)
    return _log_softmax(_dot_t(x, w2) + b2)


def _prep_body(
    xo_ref, xc_ref,
    c_g1, c_b1, c_w1, c_bb1, c_g2, c_b2, c_w2, c_bb2,
    o_g1, o_b1, o_w1, o_bb1, o_g2, o_b2, o_w2, o_bb2,
    co_g1, co_b1, co_w1, co_bb1,
    xc_out, xo_out, u2_out, v_out,
):
    xo = xo_ref[...]
    xc = xc_ref[...]
    xc_out[...] = _readout(
        xc, c_g1[...], c_b1[...], c_w1[...], c_bb1[...],
        c_g2[...], c_b2[...], c_w2[...], c_bb2[...])
    xo_out[...] = _readout(
        xo, o_g1[...], o_b1[...], o_w1[...], o_bb1[...],
        o_g2[...], o_b2[...], o_w2[...], o_bb2[...])
    mo = jnp.mean(xo, axis=0, keepdims=True)
    mc = jnp.mean(xc, axis=0, keepdims=True)
    vo = jnp.mean((xo - mo) * (xo - mo), axis=0, keepdims=True)
    vc = jnp.mean((xc - mc) * (xc - mc), axis=0, keepdims=True)
    inv = jax.lax.rsqrt(vo + vc + EPS)
    g1 = co_g1[...]
    p = g1 * (xo - mo) * inv
    q = g1 * (xc - mc) * inv + co_b1[...]
    u = _dot_t(p, co_w1[...])
    v = _dot_t(q, co_w1[...]) + co_bb1[...]
    u2_out[...] = jnp.concatenate([u, u], axis=1)
    v_out[...] = v


def _stats_body(u2_ref, v2_ref, stats_ref):
    i = pl.program_id(0)
    r = jnp.maximum(u2_ref[...][:, None, :] + v2_ref[...][None, :, :], 0.0)
    s = jnp.sum(r, axis=(0, 1))
    ss = jnp.sum(r * r, axis=(0, 1))
    upd = jnp.concatenate(
        [s[None, :], ss[None, :], jnp.zeros((6, 2 * H), jnp.float32)], axis=0)

    @pl.when(i == 0)
    def _():
        stats_ref[...] = upd

    @pl.when(i > 0)
    def _():
        stats_ref[...] += upd


def _out_body(u2_ref, v2_ref, stats_ref, w2_ref, bb2_ref, g2_ref, be2_ref,
              out_ref):
    stats = stats_ref[...]
    n = float(B * B)
    m2 = (stats[0:1, 0:H] + stats[0:1, H:2 * H]) / n
    ex2 = (stats[1:2, 0:H] + stats[1:2, H:2 * H]) / n
    var = ex2 - m2 * m2
    scale = g2_ref[...] * jax.lax.rsqrt(var + EPS)
    w2 = w2_ref[...]
    w2e = w2 * scale
    beff = bb2_ref[...] + _dot_t(be2_ref[...] - m2 * scale, w2)
    z = jnp.zeros((C, H), jnp.float32)
    wblk = jnp.concatenate(
        [jnp.concatenate([w2e, z], axis=1),
         jnp.concatenate([z, w2e], axis=1)], axis=0)
    r = jnp.maximum(u2_ref[...][:, None, :] + v2_ref[...][None, :, :], 0.0)
    r = r.reshape(TI_OUT * (B // 2), 2 * H)
    y = _dot_t(r, wblk) + jnp.concatenate([beff, beff], axis=1)
    za = _log_softmax(y[:, 0:C])
    zb = _log_softmax(y[:, C:2 * C])
    out_ref[...] = jnp.concatenate([za, zb], axis=1)


def kernel(xo, xc, fc1_c_w, fc1_c_bias, fc2_c_w, fc2_c_bias,
           fc1_o_w, fc1_o_bias, fc2_o_w, fc2_o_bias,
           fc1_co_w, fc1_co_bias, fc2_co_w, fc2_co_bias,
           bn1_c_g, bn1_c_b, bn2_c_g, bn2_c_b,
           bn1_o_g, bn1_o_b, bn2_o_g, bn2_o_b,
           bn1_co_g, bn1_co_b, bn2_co_g, bn2_co_b):
    r2 = lambda a: a.reshape(1, -1)
    f32 = jnp.float32

    xc_logis, xo_logis, u2, v = pl.pallas_call(
        _prep_body,
        out_shape=[
            jax.ShapeDtypeStruct((B, C), f32),
            jax.ShapeDtypeStruct((B, C), f32),
            jax.ShapeDtypeStruct((B, 2 * H), f32),
            jax.ShapeDtypeStruct((B, H), f32),
        ],
    )(xo, xc,
      r2(bn1_c_g), r2(bn1_c_b), fc1_c_w, r2(fc1_c_bias),
      r2(bn2_c_g), r2(bn2_c_b), fc2_c_w, r2(fc2_c_bias),
      r2(bn1_o_g), r2(bn1_o_b), fc1_o_w, r2(fc1_o_bias),
      r2(bn2_o_g), r2(bn2_o_b), fc2_o_w, r2(fc2_o_bias),
      r2(bn1_co_g), r2(bn1_co_b), fc1_co_w, r2(fc1_co_bias))

    v2 = v.reshape(B // 2, 2 * H)

    stats = pl.pallas_call(
        _stats_body,
        grid=(B // TI_STATS,),
        in_specs=[
            pl.BlockSpec((TI_STATS, 2 * H), lambda i: (i, 0)),
            pl.BlockSpec((B // 2, 2 * H), lambda i: (0, 0)),
        ],
        out_specs=pl.BlockSpec((8, 2 * H), lambda i: (0, 0)),
        out_shape=jax.ShapeDtypeStruct((8, 2 * H), f32),
    )(u2, v2)

    xco2 = pl.pallas_call(
        _out_body,
        grid=(B // TI_OUT,),
        in_specs=[
            pl.BlockSpec((TI_OUT, 2 * H), lambda i: (i, 0)),
            pl.BlockSpec((B // 2, 2 * H), lambda i: (0, 0)),
            pl.BlockSpec((8, 2 * H), lambda i: (0, 0)),
            pl.BlockSpec((C, H), lambda i: (0, 0)),
            pl.BlockSpec((1, C), lambda i: (0, 0)),
            pl.BlockSpec((1, H), lambda i: (0, 0)),
            pl.BlockSpec((1, H), lambda i: (0, 0)),
        ],
        out_specs=pl.BlockSpec((TI_OUT * (B // 2), 2 * C), lambda i: (i, 0)),
        out_shape=jax.ShapeDtypeStruct((B * B // 2, 2 * C), f32),
    )(u2, v2, stats, fc2_co_w, r2(fc2_co_bias), r2(bn2_co_g), r2(bn2_co_b))

    xco_logis = xco2.reshape(B * B, C)
    return (xc_logis, xo_logis, xco_logis)

# --- scband reference (transcript-rebuilt; emitter-appended) ---
"""Pipeline reference for scband-causal-46084999086801 (READ-ONLY COPY).

The authoritative reference and input builder live on the scoring server;
editing this copy changes nothing except your own understanding.
"""

import jax, jax.numpy as jnp
import numpy as np

B = 1024
H = 64
C = 10


def setup_inputs(seed: int = 0) -> dict:
    key = jax.random.key(seed)
    ks = jax.random.split(key, 14)
    s = 1.0 / np.sqrt(H)
    inp = {}
    inp["xo"] = jax.random.normal(ks[0], (B, H), dtype=jnp.float32)
    inp["xc"] = jax.random.normal(ks[1], (B, H), dtype=jnp.float32)
    inp["fc1_c_w"] = jax.random.uniform(ks[2], (H, H), minval=-s, maxval=s, dtype=jnp.float32)
    inp["fc1_c_bias"] = jax.random.uniform(ks[3], (H,), minval=-s, maxval=s, dtype=jnp.float32)
    inp["fc2_c_w"] = jax.random.uniform(ks[4], (C, H), minval=-s, maxval=s, dtype=jnp.float32)
    inp["fc2_c_bias"] = jax.random.uniform(ks[5], (C,), minval=-s, maxval=s, dtype=jnp.float32)
    inp["fc1_o_w"] = jax.random.uniform(ks[6], (H, H), minval=-s, maxval=s, dtype=jnp.float32)
    inp["fc1_o_bias"] = jax.random.uniform(ks[7], (H,), minval=-s, maxval=s, dtype=jnp.float32)
    inp["fc2_o_w"] = jax.random.uniform(ks[8], (C, H), minval=-s, maxval=s, dtype=jnp.float32)
    inp["fc2_o_bias"] = jax.random.uniform(ks[9], (C,), minval=-s, maxval=s, dtype=jnp.float32)
    inp["fc1_co_w"] = jax.random.uniform(ks[10], (H, H), minval=-s, maxval=s, dtype=jnp.float32)
    inp["fc1_co_bias"] = jax.random.uniform(ks[11], (H,), minval=-s, maxval=s, dtype=jnp.float32)
    inp["fc2_co_w"] = jax.random.uniform(ks[12], (C, H), minval=-s, maxval=s, dtype=jnp.float32)
    inp["fc2_co_bias"] = jax.random.uniform(ks[13], (C,), minval=-s, maxval=s, dtype=jnp.float32)
    for name in ["bn1_c", "bn2_c", "bn1_o", "bn2_o", "bn1_co", "bn2_co"]:
        inp[name + "_g"] = jnp.ones((H,), dtype=jnp.float32)
        inp[name + "_b"] = jnp.full((H,), 1e-4, dtype=jnp.float32)
    return inp


def _bn(x, g, b, eps=1e-5):
    # torch BatchNorm1d in training mode: normalize by batch mean / biased batch var
    m = jnp.mean(x, axis=0)
    v = jnp.var(x, axis=0)
    return g * (x - m) / jnp.sqrt(v + eps) + b


def _readout(x, g1, be1, w1, b1, g2, be2, w2, b2):
    x = _bn(x, g1, be1)
    x = x @ w1.T + b1
    x = jax.nn.relu(x)
    x = _bn(x, g2, be2)
    x = x @ w2.T + b2
    return jax.nn.log_softmax(x, axis=-1)


def reference(xo, xc, fc1_c_w, fc1_c_bias, fc2_c_w, fc2_c_bias, fc1_o_w, fc1_o_bias, fc2_o_w, fc2_o_bias, fc1_co_w, fc1_co_bias, fc2_co_w, fc2_co_bias, bn1_c_g, bn1_c_b, bn2_c_g, bn2_c_b, bn1_o_g, bn1_o_b, bn2_o_g, bn2_o_b, bn1_co_g, bn1_co_b, bn2_co_g, bn2_co_b):
    # context_readout_layer(xc)
    xc_logis = _readout(xc, bn1_c_g, bn1_c_b, fc1_c_w, fc1_c_bias, bn2_c_g, bn2_c_b, fc2_c_w, fc2_c_bias)
    # random_readout_layer(xc, xo) with cat_or_add == 'add'
    x_mix = (xo[:, None, :] + xc[None, :, :]).reshape(-1, H)
    xco_logis = _readout(x_mix, bn1_co_g, bn1_co_b, fc1_co_w, fc1_co_bias, bn2_co_g, bn2_co_b, fc2_co_w, fc2_co_bias)
    # objects_readout_layer(xo)
    xo_logis = _readout(xo, bn1_o_g, bn1_o_b, fc1_o_w, fc1_o_bias, bn2_o_g, bn2_o_b, fc2_o_w, fc2_o_bias)
    return (xc_logis, xo_logis, xco_logis)

if __name__ == "__main__":
    import jax
    _d = setup_inputs()
    print(jax.jit(kernel)(*tuple(_d.values())))

</pallas_src>

<mosaic_0001>
module attributes {stable_mosaic.version = 14 : i64} {
  func.func @_prep_body(%arg0: memref<1024x64xf32, #tpu.memory_space<vmem>>, %arg1: memref<1024x64xf32, #tpu.memory_space<vmem>>, %arg2: memref<1x64xf32, #tpu.memory_space<vmem>>, %arg3: memref<1x64xf32, #tpu.memory_space<vmem>>, %arg4: memref<64x64xf32, #tpu.memory_space<vmem>>, %arg5: memref<1x64xf32, #tpu.memory_space<vmem>>, %arg6: memref<1x64xf32, #tpu.memory_space<vmem>>, %arg7: memref<1x64xf32, #tpu.memory_space<vmem>>, %arg8: memref<10x64xf32, #tpu.memory_space<vmem>>, %arg9: memref<1x10xf32, #tpu.memory_space<vmem>>, %arg10: memref<1x64xf32, #tpu.memory_space<vmem>>, %arg11: memref<1x64xf32, #tpu.memory_space<vmem>>, %arg12: memref<64x64xf32, #tpu.memory_space<vmem>>, %arg13: memref<1x64xf32, #tpu.memory_space<vmem>>, %arg14: memref<1x64xf32, #tpu.memory_space<vmem>>, %arg15: memref<1x64xf32, #tpu.memory_space<vmem>>, %arg16: memref<10x64xf32, #tpu.memory_space<vmem>>, %arg17: memref<1x10xf32, #tpu.memory_space<vmem>>, %arg18: memref<1x64xf32, #tpu.memory_space<vmem>>, %arg19: memref<1x64xf32, #tpu.memory_space<vmem>>, %arg20: memref<64x64xf32, #tpu.memory_space<vmem>>, %arg21: memref<1x64xf32, #tpu.memory_space<vmem>>, %arg22: memref<1024x10xf32, #tpu.memory_space<vmem>>, %arg23: memref<1024x10xf32, #tpu.memory_space<vmem>>, %arg24: memref<1024x128xf32, #tpu.memory_space<vmem>>, %arg25: memref<1024x64xf32, #tpu.memory_space<vmem>>) attributes {dimension_semantics = [], scalar_prefetch = 0 : i64, scratch_operands = 0 : i64, tpu.core_type = #tpu.core_type<tc>} {
    %get3A = arith.constant 0 : index
    %get3A_0 = arith.constant 0 : index
    %get3A_1 = vector.load %arg0[%get3A, %get3A_0] : memref<1024x64xf32, #tpu.memory_space<vmem>>, vector<1024x64xf32>
    %get3A_2 = arith.constant 0 : index
    %get3A_3 = arith.constant 0 : index
    %get3A_4 = vector.load %arg1[%get3A_2, %get3A_3] : memref<1024x64xf32, #tpu.memory_space<vmem>>, vector<1024x64xf32>
    %get3A_5 = arith.constant 0 : index
    %get3A_6 = arith.constant 0 : index
    %get3A_7 = vector.load %arg2[%get3A_5, %get3A_6] : memref<1x64xf32, #tpu.memory_space<vmem>>, vector<1x64xf32>
    %get3A_8 = arith.constant 0 : index
    %get3A_9 = arith.constant 0 : index
    %get3A_10 = vector.load %arg3[%get3A_8, %get3A_9] : memref<1x64xf32, #tpu.memory_space<vmem>>, vector<1x64xf32>
    %get3A_11 = arith.constant 0 : index
    %get3A_12 = arith.constant 0 : index
    %get3A_13 = vector.load %arg4[%get3A_11, %get3A_12] : memref<64x64xf32, #tpu.memory_space<vmem>>, vector<64x64xf32>
    %get3A_14 = arith.constant 0 : index
    %get3A_15 = arith.constant 0 : index
    %get3A_16 = vector.load %arg5[%get3A_14, %get3A_15] : memref<1x64xf32, #tpu.memory_space<vmem>>, vector<1x64xf32>
    %get3A_17 = arith.constant 0 : index
    %get3A_18 = arith.constant 0 : index
    %get3A_19 = vector.load %arg6[%get3A_17, %get3A_18] : memref<1x64xf32, #tpu.memory_space<vmem>>, vector<1x64xf32>
    %get3A_20 = arith.constant 0 : index
    %get3A_21 = arith.constant 0 : index
    %get3A_22 = vector.load %arg7[%get3A_20, %get3A_21] : memref<1x64xf32, #tpu.memory_space<vmem>>, vector<1x64xf32>
    %get3A_23 = arith.constant 0 : index
    %get3A_24 = arith.constant 0 : index
    %get3A_25 = vector.load %arg8[%get3A_23, %get3A_24] : memref<10x64xf32, #tpu.memory_space<vmem>>, vector<10x64xf32>
    %get3A_26 = arith.constant 0 : index
    %get3A_27 = arith.constant 0 : index
    %get3A_28 = vector.load %arg9[%get3A_26, %get3A_27] : memref<1x10xf32, #tpu.memory_space<vmem>>, vector<1x10xf32>
    %reduce_sum3A = arith.constant dense<0.000000e+00> : vector<64xf32>
    %reduce_sum3A_29 = vector.multi_reduction <add>, %get3A_4, %reduce_sum3A [0] : vector<1024x64xf32> to vector<64xf32>
    %div3A = arith.constant 1.024000e+03 : f32
    %div3A_30 = vector.broadcast %div3A : f32 to vector<64xf32>
    %div3A_31 = arith.divf %reduce_sum3A_29, %div3A_30 : vector<64xf32>
    %jit3A = arith.constant 0 : i32
    %reduce_sum3A_32 = arith.constant dense<0.000000e+00> : vector<64xf32>
    %reduce_sum3A_33 = vector.multi_reduction <add>, %get3A_4, %reduce_sum3A_32 [0] : vector<1024x64xf32> to vector<64xf32>
    %broadcast_in_dim3A = vector.shape_cast %reduce_sum3A_33 : vector<64xf32> to vector<1x64xf32>
    %div3A_34 = arith.constant 1.024000e+03 : f32
    %div3A_35 = vector.broadcast %div3A_34 : f32 to vector<1x64xf32>
    %div3A_36 = arith.divf %broadcast_in_dim3A, %div3A_35 : vector<1x64xf32>
    %sub3A = vector.broadcast %div3A_36 : vector<1x64xf32> to vector<1024x64xf32>
    %sub3A_37 = arith.subf %get3A_4, %sub3A : vector<1024x64xf32>
    %square3A = arith.mulf %sub3A_37, %sub3A_37 : vector<1024x64xf32>
    %convert_element_type3A = arith.sitofp %jit3A : i32 to f32
    %sub3A_38 = arith.constant 1.024000e+03 : f32
    %sub3A_39 = arith.subf %sub3A_38, %convert_element_type3A : f32
    %reduce_sum3A_40 = arith.constant dense<0.000000e+00> : vector<64xf32>
    %reduce_sum3A_41 = vector.multi_reduction <add>, %square3A, %reduce_sum3A_40 [0] : vector<1024x64xf32> to vector<64xf32>
    %div3A_42 = vector.broadcast %sub3A_39 : f32 to vector<64xf32>
    %div3A_43 = arith.divf %reduce_sum3A_41, %div3A_42 : vector<64xf32>
    %gt3A = arith.constant 0.000000e+00 : f32
    %gt3A_44 = arith.cmpf ogt, %sub3A_39, %gt3A : f32
    %jit3A_45 = arith.constant 0x7FC00000 : f32
    %broadcast_in_dim3A_46 = vector.broadcast %jit3A_45 : f32 to vector<64xf32>
    %select_n3A = arith.select %gt3A_44, %div3A_43, %broadcast_in_dim3A_46 : vector<64xf32>
    %broadcast_in_dim3A_47 = vector.shape_cast %div3A_31 : vector<64xf32> to vector<1x64xf32>
    %sub3A_48 = vector.broadcast %broadcast_in_dim3A_47 : vector<1x64xf32> to vector<1024x64xf32>
    %sub3A_49 = arith.subf %get3A_4, %sub3A_48 : vector<1024x64xf32>
    %mul3A = vector.broadcast %get3A_7 : vector<1x64xf32> to vector<1024x64xf32>
    %mul3A_50 = arith.mulf %mul3A, %sub3A_49 : vector<1024x64xf32>
    %add3A = arith.constant 9.99999974E-6 : f32
    %add3A_51 = vector.broadcast %add3A : f32 to vector<64xf32>
    %add3A_52 = arith.addf %select_n3A, %add3A_51 : vector<64xf32>
    %sqrt3A = math.sqrt %add3A_52 : vector<64xf32>
    %broadcast_in_dim3A_53 = vector.shape_cast %sqrt3A : vector<64xf32> to vector<1x64xf32>
    %div3A_54 = vector.broadcast %broadcast_in_dim3A_53 : vector<1x64xf32> to vector<1024x64xf32>
    %div3A_55 = arith.divf %mul3A_50, %div3A_54 : vector<1024x64xf32>
    %add3A_56 = vector.broadcast %get3A_10 : vector<1x64xf32> to vector<1024x64xf32>
    %add3A_57 = arith.addf %div3A_55, %add3A_56 : vector<1024x64xf32>
    %transpose3A = tpu.transpose %get3A_13, [1, 0] : vector<64x64xf32> -> vector<64x64xf32>
    %dot_general3A = arith.constant dense<0.000000e+00> : vector<1024x64xf32>
    %dot_general3A_58 = tpu.matmul %add3A_57, %transpose3A, %dot_general3A {dimension_numbers = #tpu.dot_dimension_numbers<[1], [0], [0], [1], [0, 0, 1, 1], [], []>, transpose_lhs_hint = false} : vector<1024x64xf32>, vector<64x64xf32>, vector<1024x64xf32> -> vector<1024x64xf32>
    %add3A_59 = vector.broadcast %get3A_16 : vector<1x64xf32> to vector<1024x64xf32>
    %add3A_60 = arith.addf %dot_general3A_58, %add3A_59 : vector<1024x64xf32>
    %max3A = arith.constant 0.000000e+00 : f32
    %max3A_61 = vector.broadcast %max3A : f32 to vector<1024x64xf32>
    %max3A_62 = arith.maximumf %add3A_60, %max3A_61 : vector<1024x64xf32>
    %reduce_sum3A_63 = arith.constant dense<0.000000e+00> : vector<64xf32>
    %reduce_sum3A_64 = vector.multi_reduction <add>, %max3A_62, %reduce_sum3A_63 [0] : vector<1024x64xf32> to vector<64xf32>
    %div3A_65 = arith.constant 1.024000e+03 : f32
    %div3A_66 = vector.broadcast %div3A_65 : f32 to vector<64xf32>
    %div3A_67 = arith.divf %reduce_sum3A_64, %div3A_66 : vector<64xf32>
    %jit3A_68 = arith.constant 0 : i32
    %reduce_sum3A_69 = arith.constant dense<0.000000e+00> : vector<64xf32>
    %reduce_sum3A_70 = vector.multi_reduction <add>, %max3A_62, %reduce_sum3A_69 [0] : vector<1024x64xf32> to vector<64xf32>
    %broadcast_in_dim3A_71 = vector.shape_cast %reduce_sum3A_70 : vector<64xf32> to vector<1x64xf32>
    %div3A_72 = arith.constant 1.024000e+03 : f32
    %div3A_73 = vector.broadcast %div3A_72 : f32 to vector<1x64xf32>
    %div3A_74 = arith.divf %broadcast_in_dim3A_71, %div3A_73 : vector<1x64xf32>
    %sub3A_75 = vector.broadcast %div3A_74 : vector<1x64xf32> to vector<1024x64xf32>
    %sub3A_76 = arith.subf %max3A_62, %sub3A_75 : vector<1024x64xf32>
    %square3A_77 = arith.mulf %sub3A_76, %sub3A_76 : vector<1024x64xf32>
    %convert_element_type3A_78 = arith.sitofp %jit3A_68 : i32 to f32
    %sub3A_79 = arith.constant 1.024000e+03 : f32
    %sub3A_80 = arith.subf %sub3A_79, %convert_element_type3A_78 : f32
    %reduce_sum3A_81 = arith.constant dense<0.000000e+00> : vector<64xf32>
    %reduce_sum3A_82 = vector.multi_reduction <add>, %square3A_77, %reduce_sum3A_81 [0] : vector<1024x64xf32> to vector<64xf32>
    %div3A_83 = vector.broadcast %sub3A_80 : f32 to vector<64xf32>
    %div3A_84 = arith.divf %reduce_sum3A_82, %div3A_83 : vector<64xf32>
    %gt3A_85 = arith.constant 0.000000e+00 : f32
    %gt3A_86 = arith.cmpf ogt, %sub3A_80, %gt3A_85 : f32
    %jit3A_87 = arith.constant 0x7FC00000 : f32
    %broadcast_in_dim3A_88 = vector.broadcast %jit3A_87 : f32 to vector<64xf32>
    %select_n3A_89 = arith.select %gt3A_86, %div3A_84, %broadcast_in_dim3A_88 : vector<64xf32>
    %broadcast_in_dim3A_90 = vector.shape_cast %div3A_67 : vector<64xf32> to vector<1x64xf32>
    %sub3A_91 = vector.broadcast %broadcast_in_dim3A_90 : vector<1x64xf32> to vector<1024x64xf32>
    %sub3A_92 = arith.subf %max3A_62, %sub3A_91 : vector<1024x64xf32>
    %mul3A_93 = vector.broadcast %get3A_19 : vector<1x64xf32> to vector<1024x64xf32>
    %mul3A_94 = arith.mulf %mul3A_93, %sub3A_92 : vector<1024x64xf32>
    %add3A_95 = arith.constant 9.99999974E-6 : f32
    %add3A_96 = vector.broadcast %add3A_95 : f32 to vector<64xf32>
    %add3A_97 = arith.addf %select_n3A_89, %add3A_96 : vector<64xf32>
    %sqrt3A_98 = math.sqrt %add3A_97 : vector<64xf32>
    %broadcast_in_dim3A_99 = vector.shape_cast %sqrt3A_98 : vector<64xf32> to vector<1x64xf32>
    %div3A_100 = vector.broadcast %broadcast_in_dim3A_99 : vector<1x64xf32> to vector<1024x64xf32>
    %div3A_101 = arith.divf %mul3A_94, %div3A_100 : vector<1024x64xf32>
    %add3A_102 = vector.broadcast %get3A_22 : vector<1x64xf32> to vector<1024x64xf32>
    %add3A_103 = arith.addf %div3A_101, %add3A_102 : vector<1024x64xf32>
    %transpose3A_104 = tpu.transpose %get3A_25, [1, 0] : vector<10x64xf32> -> vector<64x10xf32>
    %dot_general3A_105 = arith.constant dense<0.000000e+00> : vector<1024x10xf32>
    %dot_general3A_106 = tpu.matmul %add3A_103, %transpose3A_104, %dot_general3A_105 {dimension_numbers = #tpu.dot_dimension_numbers<[1], [0], [0], [1], [0, 0, 1, 1], [], []>, transpose_lhs_hint = false} : vector<1024x64xf32>, vector<64x10xf32>, vector<1024x10xf32> -> vector<1024x10xf32>
    %add3A_107 = vector.broadcast %get3A_28 : vector<1x10xf32> to vector<1024x10xf32>
    %add3A_108 = arith.addf %dot_general3A_106, %add3A_107 : vector<1024x10xf32>
    %reduce_max3A = arith.constant dense<0xFF800000> : vector<1024xf32>
    %reduce_max3A_109 = vector.multi_reduction <maximumf>, %add3A_108, %reduce_max3A [1] : vector<1024x10xf32> to vector<1024xf32>
    %max3A_110 = arith.constant 0xFF800000 : f32
    %max3A_111 = vector.broadcast %max3A_110 : f32 to vector<1024xf32>
    %max3A_112 = arith.maximumf %max3A_111, %reduce_max3A_109 : vector<1024xf32>
    %broadcast_in_dim3A_113 = vector.shape_cast %max3A_112 : vector<1024xf32> to vector<1024x1xf32>
    %sub3A_114 = vector.broadcast %broadcast_in_dim3A_113 : vector<1024x1xf32> to vector<1024x10xf32>
    %sub3A_115 = arith.subf %add3A_108, %sub3A_114 : vector<1024x10xf32>
    %exp3A = math.exp %sub3A_115 : vector<1024x10xf32>
    %reduce_sum3A_116 = arith.constant dense<0.000000e+00> : vector<1024xf32>
    %reduce_sum3A_117 = vector.multi_reduction <add>, %exp3A, %reduce_sum3A_116 [1] : vector<1024x10xf32> to vector<1024xf32>
    %broadcast_in_dim3A_118 = vector.shape_cast %reduce_sum3A_117 : vector<1024xf32> to vector<1024x1xf32>
    %log3A = math.log %broadcast_in_dim3A_118 : vector<1024x1xf32>
    %sub3A_119 = vector.broadcast %log3A : vector<1024x1xf32> to vector<1024x10xf32>
    %sub3A_120 = arith.subf %sub3A_115, %sub3A_119 : vector<1024x10xf32>
    %swap3A = arith.constant 0 : index
    %swap3A_121 = arith.constant 0 : index
    %swap3A_122 = vector.load %arg22[%swap3A, %swap3A_121] : memref<1024x10xf32, #tpu.memory_space<vmem>>, vector<1024x10xf32>
    tpu.vector_store %arg22[%swap3A, %swap3A_121], %sub3A_120 {strides = array<i32>} : memref<1024x10xf32, #tpu.memory_space<vmem>>, vector<1024x10xf32>,
    %get3A_123 = arith.constant 0 : index
    %get3A_124 = arith.constant 0 : index
    %get3A_125 = vector.load %arg10[%get3A_123, %get3A_124] : memref<1x64xf32, #tpu.memory_space<vmem>>, vector<1x64xf32>
    %get3A_126 = arith.constant 0 : index
    %get3A_127 = arith.constant 0 : index
    %get3A_128 = vector.load %arg11[%get3A_126, %get3A_127] : memref<1x64xf32, #tpu.memory_space<vmem>>, vector<1x64xf32>
    %get3A_129 = arith.constant 0 : index
    %get3A_130 = arith.constant 0 : index
    %get3A_131 = vector.load %arg12[%get3A_129, %get3A_130] : memref<64x64xf32, #tpu.memory_space<vmem>>, vector<64x64xf32>
    %get3A_132 = arith.constant 0 : index
    %get3A_133 = arith.constant 0 : index
    %get3A_134 = vector.load %arg13[%get3A_132, %get3A_133] : memref<1x64xf32, #tpu.memory_space<vmem>>, vector<1x64xf32>
    %get3A_135 = arith.constant 0 : index
    %get3A_136 = arith.constant 0 : index
    %get3A_137 = vector.load %arg14[%get3A_135, %get3A_136] : memref<1x64xf32, #tpu.memory_space<vmem>>, vector<1x64xf32>
    %get3A_138 = arith.constant 0 : index
    %get3A_139 = arith.constant 0 : index
    %get3A_140 = vector.load %arg15[%get3A_138, %get3A_139] : memref<1x64xf32, #tpu.memory_space<vmem>>, vector<1x64xf32>
    %get3A_141 = arith.constant 0 : index
    %get3A_142 = arith.constant 0 : index
    %get3A_143 = vector.load %arg16[%get3A_141, %get3A_142] : memref<10x64xf32, #tpu.memory_space<vmem>>, vector<10x64xf32>
    %get3A_144 = arith.constant 0 : index
    %get3A_145 = arith.constant 0 : index
    %get3A_146 = vector.load %arg17[%get3A_144, %get3A_145] : memref<1x10xf32, #tpu.memory_space<vmem>>, vector<1x10xf32>
    %reduce_sum3A_147 = arith.constant dense<0.000000e+00> : vector<64xf32>
    %reduce_sum3A_148 = vector.multi_reduction <add>, %get3A_1, %reduce_sum3A_147 [0] : vector<1024x64xf32> to vector<64xf32>
    %div3A_149 = arith.constant 1.024000e+03 : f32
    %div3A_150 = vector.broadcast %div3A_149 : f32 to vector<64xf32>
    %div3A_151 = arith.divf %reduce_sum3A_148, %div3A_150 : vector<64xf32>
    %jit3A_152 = arith.constant 0 : i32
    %reduce_sum3A_153 = arith.constant dense<0.000000e+00> : vector<64xf32>
    %reduce_sum3A_154 = vector.multi_reduction <add>, %get3A_1, %reduce_sum3A_153 [0] : vector<1024x64xf32> to vector<64xf32>
    %broadcast_in_dim3A_155 = vector.shape_cast %reduce_sum3A_154 : vector<64xf32> to vector<1x64xf32>
    %div3A_156 = arith.constant 1.024000e+03 : f32
    %div3A_157 = vector.broadcast %div3A_156 : f32 to vector<1x64xf32>
    %div3A_158 = arith.divf %broadcast_in_dim3A_155, %div3A_157 : vector<1x64xf32>
    %sub3A_159 = vector.broadcast %div3A_158 : vector<1x64xf32> to vector<1024x64xf32>
    %sub3A_160 = arith.subf %get3A_1, %sub3A_159 : vector<1024x64xf32>
    %square3A_161 = arith.mulf %sub3A_160, %sub3A_160 : vector<1024x64xf32>
    %convert_element_type3A_162 = arith.sitofp %jit3A_152 : i32 to f32
    %sub3A_163 = arith.constant 1.024000e+03 : f32
    %sub3A_164 = arith.subf %sub3A_163, %convert_element_type3A_162 : f32
    %reduce_sum3A_165 = arith.constant dense<0.000000e+00> : vector<64xf32>
    %reduce_sum3A_166 = vector.multi_reduction <add>, %square3A_161, %reduce_sum3A_165 [0] : vector<1024x64xf32> to vector<64xf32>
    %div3A_167 = vector.broadcast %sub3A_164 : f32 to vector<64xf32>
    %div3A_168 = arith.divf %reduce_sum3A_166, %div3A_167 : vector<64xf32>
    %gt3A_169 = arith.constant 0.000000e+00 : f32
    %gt3A_170 = arith.cmpf ogt, %sub3A_164, %gt3A_169 : f32
    %jit3A_171 = arith.constant 0x7FC00000 : f32
    %broadcast_in_dim3A_172 = vector.broadcast %jit3A_171 : f32 to vector<64xf32>
    %select_n3A_173 = arith.select %gt3A_170, %div3A_168, %broadcast_in_dim3A_172 : vector<64xf32>
    %broadcast_in_dim3A_174 = vector.shape_cast %div3A_151 : vector<64xf32> to vector<1x64xf32>
    %sub3A_175 = vector.broadcast %broadcast_in_dim3A_174 : vector<1x64xf32> to vector<1024x64xf32>
    %sub3A_176 = arith.subf %get3A_1, %sub3A_175 : vector<1024x64xf32>
    %mul3A_177 = vector.broadcast %get3A_125 : vector<1x64xf32> to vector<1024x64xf32>
    %mul3A_178 = arith.mulf %mul3A_177, %sub3A_176 : vector<1024x64xf32>
    %add3A_179 = arith.constant 9.99999974E-6 : f32
    %add3A_180 = vector.broadcast %add3A_179 : f32 to vector<64xf32>
    %add3A_181 = arith.addf %select_n3A_173, %add3A_180 : vector<64xf32>
    %sqrt3A_182 = math.sqrt %add3A_181 : vector<64xf32>
    %broadcast_in_dim3A_183 = vector.shape_cast %sqrt3A_182 : vector<64xf32> to vector<1x64xf32>
    %div3A_184 = vector.broadcast %broadcast_in_dim3A_183 : vector<1x64xf32> to vector<1024x64xf32>
    %div3A_185 = arith.divf %mul3A_178, %div3A_184 : vector<1024x64xf32>
    %add3A_186 = vector.broadcast %get3A_128 : vector<1x64xf32> to vector<1024x64xf32>
    %add3A_187 = arith.addf %div3A_185, %add3A_186 : vector<1024x64xf32>
    %transpose3A_188 = tpu.transpose %get3A_131, [1, 0] : vector<64x64xf32> -> vector<64x64xf32>
    %dot_general3A_189 = arith.constant dense<0.000000e+00> : vector<1024x64xf32>
    %dot_general3A_190 = tpu.matmul %add3A_187, %transpose3A_188, %dot_general3A_189 {dimension_numbers = #tpu.dot_dimension_numbers<[1], [0], [0], [1], [0, 0, 1, 1], [], []>, transpose_lhs_hint = false} : vector<1024x64xf32>, vector<64x64xf32>, vector<1024x64xf32> -> vector<1024x64xf32>
    %add3A_191 = vector.broadcast %get3A_134 : vector<1x64xf32> to vector<1024x64xf32>
    %add3A_192 = arith.addf %dot_general3A_190, %add3A_191 : vector<1024x64xf32>
    %max3A_193 = arith.constant 0.000000e+00 : f32
    %max3A_194 = vector.broadcast %max3A_193 : f32 to vector<1024x64xf32>
    %max3A_195 = arith.maximumf %add3A_192, %max3A_194 : vector<1024x64xf32>
    %reduce_sum3A_196 = arith.constant dense<0.000000e+00> : vector<64xf32>
    %reduce_sum3A_197 = vector.multi_reduction <add>, %max3A_195, %reduce_sum3A_196 [0] : vector<1024x64xf32> to vector<64xf32>
    %div3A_198 = arith.constant 1.024000e+03 : f32
    %div3A_199 = vector.broadcast %div3A_198 : f32 to vector<64xf32>
    %div3A_200 = arith.divf %reduce_sum3A_197, %div3A_199 : vector<64xf32>
    %jit3A_201 = arith.constant 0 : i32
    %reduce_sum3A_202 = arith.constant dense<0.000000e+00> : vector<64xf32>
    %reduce_sum3A_203 = vector.multi_reduction <add>, %max3A_195, %reduce_sum3A_202 [0] : vector<1024x64xf32> to vector<64xf32>
    %broadcast_in_dim3A_204 = vector.shape_cast %reduce_sum3A_203 : vector<64xf32> to vector<1x64xf32>
    %div3A_205 = arith.constant 1.024000e+03 : f32
    %div3A_206 = vector.broadcast %div3A_205 : f32 to vector<1x64xf32>
    %div3A_207 = arith.divf %broadcast_in_dim3A_204, %div3A_206 : vector<1x64xf32>
    %sub3A_208 = vector.broadcast %div3A_207 : vector<1x64xf32> to vector<1024x64xf32>
    %sub3A_209 = arith.subf %max3A_195, %sub3A_208 : vector<1024x64xf32>
    %square3A_210 = arith.mulf %sub3A_209, %sub3A_209 : vector<1024x64xf32>
    %convert_element_type3A_211 = arith.sitofp %jit3A_201 : i32 to f32
    %sub3A_212 = arith.constant 1.024000e+03 : f32
    %sub3A_213 = arith.subf %sub3A_212, %convert_element_type3A_211 : f32
    %reduce_sum3A_214 = arith.constant dense<0.000000e+00> : vector<64xf32>
    %reduce_sum3A_215 = vector.multi_reduction <add>, %square3A_210, %reduce_sum3A_214 [0] : vector<1024x64xf32> to vector<64xf32>
    %div3A_216 = vector.broadcast %sub3A_213 : f32 to vector<64xf32>
    %div3A_217 = arith.divf %reduce_sum3A_215, %div3A_216 : vector<64xf32>
    %gt3A_218 = arith.constant 0.000000e+00 : f32
    %gt3A_219 = arith.cmpf ogt, %sub3A_213, %gt3A_218 : f32
    %jit3A_220 = arith.constant 0x7FC00000 : f32
    %broadcast_in_dim3A_221 = vector.broadcast %jit3A_220 : f32 to vector<64xf32>
    %select_n3A_222 = arith.select %gt3A_219, %div3A_217, %broadcast_in_dim3A_221 : vector<64xf32>
    %broadcast_in_dim3A_223 = vector.shape_cast %div3A_200 : vector<64xf32> to vector<1x64xf32>
    %sub3A_224 = vector.broadcast %broadcast_in_dim3A_223 : vector<1x64xf32> to vector<1024x64xf32>
    %sub3A_225 = arith.subf %max3A_195, %sub3A_224 : vector<1024x64xf32>
    %mul3A_226 = vector.broadcast %get3A_137 : vector<1x64xf32> to vector<1024x64xf32>
    %mul3A_227 = arith.mulf %mul3A_226, %sub3A_225 : vector<1024x64xf32>
    %add3A_228 = arith.constant 9.99999974E-6 : f32
    %add3A_229 = vector.broadcast %add3A_228 : f32 to vector<64xf32>
    %add3A_230 = arith.addf %select_n3A_222, %add3A_229 : vector<64xf32>
    %sqrt3A_231 = math.sqrt %add3A_230 : vector<64xf32>
    %broadcast_in_dim3A_232 = vector.shape_cast %sqrt3A_231 : vector<64xf32> to vector<1x64xf32>
    %div3A_233 = vector.broadcast %broadcast_in_dim3A_232 : vector<1x64xf32> to vector<1024x64xf32>
    %div3A_234 = arith.divf %mul3A_227, %div3A_233 : vector<1024x64xf32>
    %add3A_235 = vector.broadcast %get3A_140 : vector<1x64xf32> to vector<1024x64xf32>
    %add3A_236 = arith.addf %div3A_234, %add3A_235 : vector<1024x64xf32>
    %transpose3A_237 = tpu.transpose %get3A_143, [1, 0] : vector<10x64xf32> -> vector<64x10xf32>
    %dot_general3A_238 = arith.constant dense<0.000000e+00> : vector<1024x10xf32>
    %dot_general3A_239 = tpu.matmul %add3A_236, %transpose3A_237, %dot_general3A_238 {dimension_numbers = #tpu.dot_dimension_numbers<[1], [0], [0], [1], [0, 0, 1, 1], [], []>, transpose_lhs_hint = false} : vector<1024x64xf32>, vector<64x10xf32>, vector<1024x10xf32> -> vector<1024x10xf32>
    %add3A_240 = vector.broadcast %get3A_146 : vector<1x10xf32> to vector<1024x10xf32>
    %add3A_241 = arith.addf %dot_general3A_239, %add3A_240 : vector<1024x10xf32>
    %reduce_max3A_242 = arith.constant dense<0xFF800000> : vector<1024xf32>
    %reduce_max3A_243 = vector.multi_reduction <maximumf>, %add3A_241, %reduce_max3A_242 [1] : vector<1024x10xf32> to vector<1024xf32>
    %max3A_244 = arith.constant 0xFF800000 : f32
    %max3A_245 = vector.broadcast %max3A_244 : f32 to vector<1024xf32>
    %max3A_246 = arith.maximumf %max3A_245, %reduce_max3A_243 : vector<1024xf32>
    %broadcast_in_dim3A_247 = vector.shape_cast %max3A_246 : vector<1024xf32> to vector<1024x1xf32>
    %sub3A_248 = vector.broadcast %broadcast_in_dim3A_247 : vector<1024x1xf32> to vector<1024x10xf32>
    %sub3A_249 = arith.subf %add3A_241, %sub3A_248 : vector<1024x10xf32>
    %exp3A_250 = math.exp %sub3A_249 : vector<1024x10xf32>
    %reduce_sum3A_251 = arith.constant dense<0.000000e+00> : vector<1024xf32>
    %reduce_sum3A_252 = vector.multi_reduction <add>, %exp3A_250, %reduce_sum3A_251 [1] : vector<1024x10xf32> to vector<1024xf32>
    %broadcast_in_dim3A_253 = vector.shape_cast %reduce_sum3A_252 : vector<1024xf32> to vector<1024x1xf32>
    %log3A_254 = math.log %broadcast_in_dim3A_253 : vector<1024x1xf32>
    %sub3A_255 = vector.broadcast %log3A_254 : vector<1024x1xf32> to vector<1024x10xf32>
    %sub3A_256 = arith.subf %sub3A_249, %sub3A_255 : vector<1024x10xf32>
    %swap3A_257 = arith.constant 0 : index
    %swap3A_258 = arith.constant 0 : index
    %swap3A_259 = vector.load %arg23[%swap3A_257, %swap3A_258] : memref<1024x10xf32, #tpu.memory_space<vmem>>, vector<1024x10xf32>
    tpu.vector_store %arg23[%swap3A_257, %swap3A_258], %sub3A_256 {strides = array<i32>} : memref<1024x10xf32, #tpu.memory_space<vmem>>, vector<1024x10xf32>,
    %reduce_sum3A_260 = arith.constant dense<0.000000e+00> : vector<64xf32>
    %reduce_sum3A_261 = vector.multi_reduction <add>, %get3A_1, %reduce_sum3A_260 [0] : vector<1024x64xf32> to vector<64xf32>
    %broadcast_in_dim3A_262 = vector.shape_cast %reduce_sum3A_261 : vector<64xf32> to vector<1x64xf32>
    %div3A_263 = arith.constant 1.024000e+03 : f32
    %div3A_264 = vector.broadcast %div3A_263 : f32 to vector<1x64xf32>
    %div3A_265 = arith.divf %broadcast_in_dim3A_262, %div3A_264 : vector<1x64xf32>
    %reduce_sum3A_266 = arith.constant dense<0.000000e+00> : vector<64xf32>
    %reduce_sum3A_267 = vector.multi_reduction <add>, %get3A_4, %reduce_sum3A_266 [0] : vector<1024x64xf32> to vector<64xf32>
    %broadcast_in_dim3A_268 = vector.shape_cast %reduce_sum3A_267 : vector<64xf32> to vector<1x64xf32>
    %div3A_269 = arith.constant 1.024000e+03 : f32
    %div3A_270 = vector.broadcast %div3A_269 : f32 to vector<1x64xf32>
    %div3A_271 = arith.divf %broadcast_in_dim3A_268, %div3A_270 : vector<1x64xf32>
    %sub3A_272 = vector.broadcast %div3A_265 : vector<1x64xf32> to vector<1024x64xf32>
    %sub3A_273 = arith.subf %get3A_1, %sub3A_272 : vector<1024x64xf32>
    %sub3A_274 = vector.broadcast %div3A_265 : vector<1x64xf32> to vector<1024x64xf32>
    %sub3A_275 = arith.subf %get3A_1, %sub3A_274 : vector<1024x64xf32>
    %mul3A_276 = arith.mulf %sub3A_273, %sub3A_275 : vector<1024x64xf32>
    %reduce_sum3A_277 = arith.constant dense<0.000000e+00> : vector<64xf32>
    %reduce_sum3A_278 = vector.multi_reduction <add>, %mul3A_276, %reduce_sum3A_277 [0] : vector<1024x64xf32> to vector<64xf32>
    %broadcast_in_dim3A_279 = vector.shape_cast %reduce_sum3A_278 : vector<64xf32> to vector<1x64xf32>
    %div3A_280 = arith.constant 1.024000e+03 : f32
    %div3A_281 = vector.broadcast %div3A_280 : f32 to vector<1x64xf32>
    %div3A_282 = arith.divf %broadcast_in_dim3A_279, %div3A_281 : vector<1x64xf32>
    %sub3A_283 = vector.broadcast %div3A_271 : vector<1x64xf32> to vector<1024x64xf32>
    %sub3A_284 = arith.subf %get3A_4, %sub3A_283 : vector<1024x64xf32>
    %sub3A_285 = vector.broadcast %div3A_271 : vector<1x64xf32> to vector<1024x64xf32>
    %sub3A_286 = arith.subf %get3A_4, %sub3A_285 : vector<1024x64xf32>
    %mul3A_287 = arith.mulf %sub3A_284, %sub3A_286 : vector<1024x64xf32>
    %reduce_sum3A_288 = arith.constant dense<0.000000e+00> : vector<64xf32>
    %reduce_sum3A_289 = vector.multi_reduction <add>, %mul3A_287, %reduce_sum3A_288 [0] : vector<1024x64xf32> to vector<64xf32>
    %broadcast_in_dim3A_290 = vector.shape_cast %reduce_sum3A_289 : vector<64xf32> to vector<1x64xf32>
    %div3A_291 = arith.constant 1.024000e+03 : f32
    %div3A_292 = vector.broadcast %div3A_291 : f32 to vector<1x64xf32>
    %div3A_293 = arith.divf %broadcast_in_dim3A_290, %div3A_292 : vector<1x64xf32>
    %add3A_294 = arith.addf %div3A_282, %div3A_293 : vector<1x64xf32>
    %add3A_295 = arith.constant 9.99999974E-6 : f32
    %add3A_296 = vector.broadcast %add3A_295 : f32 to vector<1x64xf32>
    %add3A_297 = arith.addf %add3A_294, %add3A_296 : vector<1x64xf32>
    %rsqrt3A = math.rsqrt %add3A_297 : vector<1x64xf32>
    %get3A_298 = arith.constant 0 : index
    %get3A_299 = arith.constant 0 : index
    %get3A_300 = vector.load %arg18[%get3A_298, %get3A_299] : memref<1x64xf32, #tpu.memory_space<vmem>>, vector<1x64xf32>
    %sub3A_301 = vector.broadcast %div3A_265 : vector<1x64xf32> to vector<1024x64xf32>
    %sub3A_302 = arith.subf %get3A_1, %sub3A_301 : vector<1024x64xf32>
    %mul3A_303 = vector.broadcast %get3A_300 : vector<1x64xf32> to vector<1024x64xf32>
    %mul3A_304 = arith.mulf %mul3A_303, %sub3A_302 : vector<1024x64xf32>
    %mul3A_305 = vector.broadcast %rsqrt3A : vector<1x64xf32> to vector<1024x64xf32>
    %mul3A_306 = arith.mulf %mul3A_304, %mul3A_305 : vector<1024x64xf32>
    %sub3A_307 = vector.broadcast %div3A_271 : vector<1x64xf32> to vector<1024x64xf32>
    %sub3A_308 = arith.subf %get3A_4, %sub3A_307 : vector<1024x64xf32>
    %mul3A_309 = vector.broadcast %get3A_300 : vector<1x64xf32> to vector<1024x64xf32>
    %mul3A_310 = arith.mulf %mul3A_309, %sub3A_308 : vector<1024x64xf32>
    %mul3A_311 = vector.broadcast %rsqrt3A : vector<1x64xf32> to vector<1024x64xf32>
    %mul3A_312 = arith.mulf %mul3A_310, %mul3A_311 : vector<1024x64xf32>
    %get3A_313 = arith.constant 0 : index
    %get3A_314 = arith.constant 0 : index
    %get3A_315 = vector.load %arg19[%get3A_313, %get3A_314] : memref<1x64xf32, #tpu.memory_space<vmem>>, vector<1x64xf32>
    %add3A_316 = vector.broadcast %get3A_315 : vector<1x64xf32> to vector<1024x64xf32>
    %add3A_317 = arith.addf %mul3A_312, %add3A_316 : vector<1024x64xf32>
    %get3A_318 = arith.constant 0 : index
    %get3A_319 = arith.constant 0 : index
    %get3A_320 = vector.load %arg20[%get3A_318, %get3A_319] : memref<64x64xf32, #tpu.memory_space<vmem>>, vector<64x64xf32>
    %dot_general3A_321 = arith.constant dense<0.000000e+00> : vector<1024x64xf32>
    %dot_general3A_322 = tpu.matmul %mul3A_306, %get3A_320, %dot_general3A_321 {dimension_numbers = #tpu.dot_dimension_numbers<[1], [1], [0], [0], [0, 0, 1, 0], [], []>, transpose_lhs_hint = false} : vector<1024x64xf32>, vector<64x64xf32>, vector<1024x64xf32> -> vector<1024x64xf32>
    %get3A_323 = arith.constant 0 : index
    %get3A_324 = arith.constant 0 : index
    %get3A_325 = vector.load %arg20[%get3A_323, %get3A_324] : memref<64x64xf32, #tpu.memory_space<vmem>>, vector<64x64xf32>
    %dot_general3A_326 = arith.constant dense<0.000000e+00> : vector<1024x64xf32>
    %dot_general3A_327 = tpu.matmul %add3A_317, %get3A_325, %dot_general3A_326 {dimension_numbers = #tpu.dot_dimension_numbers<[1], [1], [0], [0], [0, 0, 1, 0], [], []>, transpose_lhs_hint = false} : vector<1024x64xf32>, vector<64x64xf32>, vector<1024x64xf32> -> vector<1024x64xf32>
    %get3A_328 = arith.constant 0 : index
    %get3A_329 = arith.constant 0 : index
    %get3A_330 = vector.load %arg21[%get3A_328, %get3A_329] : memref<1x64xf32, #tpu.memory_space<vmem>>, vector<1x64xf32>
    %add3A_331 = vector.broadcast %get3A_330 : vector<1x64xf32> to vector<1024x64xf32>
    %add3A_332 = arith.addf %dot_general3A_327, %add3A_331 : vector<1024x64xf32>
    %concatenate3A = tpu.concatenate %dot_general3A_322, %dot_general3A_322 in 1 : vector<1024x64xf32>, vector<1024x64xf32> -> vector<1024x128xf32>
    %swap3A_333 = arith.constant 0 : index
    %swap3A_334 = arith.constant 0 : index
    %swap3A_335 = vector.load %arg24[%swap3A_333, %swap3A_334] : memref<1024x128xf32, #tpu.memory_space<vmem>>, vector<1024x128xf32>
    tpu.vector_store %arg24[%swap3A_333, %swap3A_334], %concatenate3A {strides = array<i32>} : memref<1024x128xf32, #tpu.memory_space<vmem>>, vector<1024x128xf32>,
    %swap3A_336 = arith.constant 0 : index
    %swap3A_337 = arith.constant 0 : index
    %swap3A_338 = vector.load %arg25[%swap3A_336, %swap3A_337] : memref<1024x64xf32, #tpu.memory_space<vmem>>, vector<1024x64xf32>
    tpu.vector_store %arg25[%swap3A_336, %swap3A_337], %add3A_332 {strides = array<i32>} : memref<1024x64xf32, #tpu.memory_space<vmem>>, vector<1024x64xf32>,
    return
  }
}

module attributes {stable_mosaic.version = 14 : i64} {
  func.func @_stats_body(%arg0: i32, %arg1: memref<8x128xf32, #tpu.memory_space<vmem>>, %arg2: memref<512x128xf32, #tpu.memory_space<vmem>>, %arg3: memref<8x128xf32, #tpu.memory_space<vmem>>) attributes {dimension_semantics = [#tpu.dimension_semantics<arbitrary>], iteration_bounds = array<i64: 128>, scalar_prefetch = 0 : i64, scratch_operands = 0 : i64, tpu.core_type = #tpu.core_type<tc>, window_params = [{transform_indices = @transform_0, window_bounds = array<i64: 8, 128>}, {pipeline_mode = #tpu.pipeline_mode<synchronous>, transform_indices = @transform_1, window_bounds = array<i64: 512, 128>}, {pipeline_mode = #tpu.pipeline_mode<synchronous>, transform_indices = @transform_2, window_bounds = array<i64: 8, 128>}]} {
    %get3A = arith.constant 0 : index
    %get3A_0 = arith.constant 0 : index
    %get3A_1 = vector.load %arg1[%get3A, %get3A_0] : memref<8x128xf32, #tpu.memory_space<vmem>>, vector<8x128xf32>
    %broadcast_in_dim3A = vector.shape_cast %get3A_1 : vector<8x128xf32> to vector<8x1x128xf32>
    %get3A_2 = arith.constant 0 : index
    %get3A_3 = arith.constant 0 : index
    %get3A_4 = vector.load %arg2[%get3A_2, %get3A_3] : memref<512x128xf32, #tpu.memory_space<vmem>>, vector<512x128xf32>
    %broadcast_in_dim3A_5 = vector.shape_cast %get3A_4 : vector<512x128xf32> to vector<1x512x128xf32>
    %add3A = vector.broadcast %broadcast_in_dim3A : vector<8x1x128xf32> to vector<8x512x128xf32>
    %add3A_6 = vector.broadcast %broadcast_in_dim3A_5 : vector<1x512x128xf32> to vector<8x512x128xf32>
    %add3A_7 = arith.addf %add3A, %add3A_6 : vector<8x512x128xf32>
    %max3A = arith.constant 0.000000e+00 : f32
    %max3A_8 = vector.broadcast %max3A : f32 to vector<8x512x128xf32>
    %max3A_9 = arith.maximumf %add3A_7, %max3A_8 : vector<8x512x128xf32>
    %reduce_sum3A = arith.constant dense<0.000000e+00> : vector<128xf32>
    %reduce_sum3A_10 = vector.multi_reduction <add>, %max3A_9, %reduce_sum3A [0, 1] : vector<8x512x128xf32> to vector<128xf32>
    %mul3A = arith.mulf %max3A_9, %max3A_9 : vector<8x512x128xf32>
    %reduce_sum3A_11 = arith.constant dense<0.000000e+00> : vector<128xf32>
    %reduce_sum3A_12 = vector.multi_reduction <add>, %mul3A, %reduce_sum3A_11 [0, 1] : vector<8x512x128xf32> to vector<128xf32>
    %broadcast_in_dim3A_13 = vector.shape_cast %reduce_sum3A_10 : vector<128xf32> to vector<1x128xf32>
    %broadcast_in_dim3A_14 = vector.shape_cast %reduce_sum3A_12 : vector<128xf32> to vector<1x128xf32>
    %broadcast_in_dim3A_15 = arith.constant 0.000000e+00 : f32
    %broadcast_in_dim3A_16 = vector.broadcast %broadcast_in_dim3A_15 : f32 to vector<6x128xf32>
    %concatenate3A = tpu.concatenate %broadcast_in_dim3A_13, %broadcast_in_dim3A_14, %broadcast_in_dim3A_16 in 0 : vector<1x128xf32>, vector<1x128xf32>, vector<6x128xf32> -> vector<8x128xf32>
    %eq3A = arith.constant 0 : i32
    %eq3A_17 = arith.cmpi eq, %arg0, %eq3A : i32
    %convert_element_type3A = arith.extui %eq3A_17 : i1 to i32
    %cond3A = arith.constant 0 : i32
    %cond3A_18 = arith.cmpi ne, %convert_element_type3A, %cond3A : i32
    scf.if %cond3A_18 {
      %swap3A = arith.constant 0 : index
      %swap3A_23 = arith.constant 0 : index
      %swap3A_24 = vector.load %arg3[%swap3A, %swap3A_23] : memref<8x128xf32, #tpu.memory_space<vmem>>, vector<8x128xf32>
      tpu.vector_store %arg3[%swap3A, %swap3A_23], %concatenate3A {strides = array<i32>} : memref<8x128xf32, #tpu.memory_space<vmem>>, vector<8x128xf32>,
    } else {
    }
    %gt3A = arith.constant 0 : i32
    %gt3A_19 = arith.cmpi sgt, %arg0, %gt3A : i32
    %convert_element_type3A_20 = arith.extui %gt3A_19 : i1 to i32
    %cond3A_21 = arith.constant 0 : i32
    %cond3A_22 = arith.cmpi ne, %convert_element_type3A_20, %cond3A_21 : i32
    scf.if %cond3A_22 {
      %get3A_23 = arith.constant 0 : index
      %get3A_24 = arith.constant 0 : index
      %get3A_25 = vector.load %arg3[%get3A_23, %get3A_24] : memref<8x128xf32, #tpu.memory_space<vmem>>, vector<8x128xf32>
      %add3A_26 = arith.addf %get3A_25, %concatenate3A : vector<8x128xf32>
      %swap3A = arith.constant 0 : index
      %swap3A_27 = arith.constant 0 : index
      %swap3A_28 = vector.load %arg3[%swap3A, %swap3A_27] : memref<8x128xf32, #tpu.memory_space<vmem>>, vector<8x128xf32>
      tpu.vector_store %arg3[%swap3A, %swap3A_27], %add3A_26 {strides = array<i32>} : memref<8x128xf32, #tpu.memory_space<vmem>>, vector<8x128xf32>,
    } else {
    }
    return
  }
  func.func @transform_0(%arg0: i32) -> (i32, i32) {
    %c0_i32 = arith.constant 0 : i32
    %c0_i32_0 = arith.constant 0 : i32
    return %arg0, %c0_i32 : i32, i32
  }
  func.func @transform_1(%arg0: i32) -> (i32, i32) {
    %c0_i32 = arith.constant 0 : i32
    %c0_i32_0 = arith.constant 0 : i32
    %c0_i32_1 = arith.constant 0 : i32
    return %c0_i32, %c0_i32_0 : i32, i32
  }
  func.func @transform_2(%arg0: i32) -> (i32, i32) {
    %c0_i32 = arith.constant 0 : i32
    %c0_i32_0 = arith.constant 0 : i32
    %c0_i32_1 = arith.constant 0 : i32
    return %c0_i32, %c0_i32_0 : i32, i32
  }
}

module attributes {stable_mosaic.version = 14 : i64} {
  func.func @_out_body(%arg0: i32, %arg1: memref<8x128xf32, #tpu.memory_space<vmem>>, %arg2: memref<512x128xf32, #tpu.memory_space<vmem>>, %arg3: memref<8x128xf32, #tpu.memory_space<vmem>>, %arg4: memref<10x64xf32, #tpu.memory_space<vmem>>, %arg5: memref<1x10xf32, #tpu.memory_space<vmem>>, %arg6: memref<1x64xf32, #tpu.memory_space<vmem>>, %arg7: memref<1x64xf32, #tpu.memory_space<vmem>>, %arg8: memref<4096x20xf32, #tpu.memory_space<vmem>>) attributes {dimension_semantics = [#tpu.dimension_semantics<arbitrary>], iteration_bounds = array<i64: 128>, scalar_prefetch = 0 : i64, scratch_operands = 0 : i64, tpu.core_type = #tpu.core_type<tc>, window_params = [{transform_indices = @transform_0, window_bounds = array<i64: 8, 128>}, {pipeline_mode = #tpu.pipeline_mode<synchronous>, transform_indices = @transform_1, window_bounds = array<i64: 512, 128>}, {pipeline_mode = #tpu.pipeline_mode<synchronous>, transform_indices = @transform_2, window_bounds = array<i64: 8, 128>}, {pipeline_mode = #tpu.pipeline_mode<synchronous>, transform_indices = @transform_3, window_bounds = array<i64: 10, 64>}, {pipeline_mode = #tpu.pipeline_mode<synchronous>, transform_indices = @transform_4, window_bounds = array<i64: 1, 10>}, {pipeline_mode = #tpu.pipeline_mode<synchronous>, transform_indices = @transform_5, window_bounds = array<i64: 1, 64>}, {pipeline_mode = #tpu.pipeline_mode<synchronous>, transform_indices = @transform_6, window_bounds = array<i64: 1, 64>}, {transform_indices = @transform_7, window_bounds = array<i64: 4096, 20>}]} {
    %get3A = arith.constant 0 : index
    %get3A_0 = arith.constant 0 : index
    %get3A_1 = vector.load %arg3[%get3A, %get3A_0] : memref<8x128xf32, #tpu.memory_space<vmem>>, vector<8x128xf32>
    %slice3A = vector.extract_strided_slice %get3A_1 {offsets = [0, 0], sizes = [1, 64], strides = [1, 1]} : vector<8x128xf32> to vector<1x64xf32>
    %slice3A_2 = vector.extract_strided_slice %get3A_1 {offsets = [0, 64], sizes = [1, 64], strides = [1, 1]} : vector<8x128xf32> to vector<1x64xf32>
    %add3A = arith.addf %slice3A, %slice3A_2 : vector<1x64xf32>
    %div3A = arith.constant 0x49800000 : f32
    %div3A_3 = vector.broadcast %div3A : f32 to vector<1x64xf32>
    %div3A_4 = arith.divf %add3A, %div3A_3 : vector<1x64xf32>
    %slice3A_5 = vector.extract_strided_slice %get3A_1 {offsets = [1, 0], sizes = [1, 64], strides = [1, 1]} : vector<8x128xf32> to vector<1x64xf32>
    %slice3A_6 = vector.extract_strided_slice %get3A_1 {offsets = [1, 64], sizes = [1, 64], strides = [1, 1]} : vector<8x128xf32> to vector<1x64xf32>
    %add3A_7 = arith.addf %slice3A_5, %slice3A_6 : vector<1x64xf32>
    %div3A_8 = arith.constant 0x49800000 : f32
    %div3A_9 = vector.broadcast %div3A_8 : f32 to vector<1x64xf32>
    %div3A_10 = arith.divf %add3A_7, %div3A_9 : vector<1x64xf32>
    %mul3A = arith.mulf %div3A_4, %div3A_4 : vector<1x64xf32>
    %sub3A = arith.subf %div3A_10, %mul3A : vector<1x64xf32>
    %get3A_11 = arith.constant 0 : index
    %get3A_12 = arith.constant 0 : index
    %get3A_13 = vector.load %arg6[%get3A_11, %get3A_12] : memref<1x64xf32, #tpu.memory_space<vmem>>, vector<1x64xf32>
    %add3A_14 = arith.constant 9.99999974E-6 : f32
    %add3A_15 = vector.broadcast %add3A_14 : f32 to vector<1x64xf32>
    %add3A_16 = arith.addf %sub3A, %add3A_15 : vector<1x64xf32>
    %rsqrt3A = math.rsqrt %add3A_16 : vector<1x64xf32>
    %mul3A_17 = arith.mulf %get3A_13, %rsqrt3A : vector<1x64xf32>
    %get3A_18 = arith.constant 0 : index
    %get3A_19 = arith.constant 0 : index
    %get3A_20 = vector.load %arg4[%get3A_18, %get3A_19] : memref<10x64xf32, #tpu.memory_space<vmem>>, vector<10x64xf32>
    %mul3A_21 = vector.broadcast %mul3A_17 : vector<1x64xf32> to vector<10x64xf32>
    %mul3A_22 = arith.mulf %get3A_20, %mul3A_21 : vector<10x64xf32>
    %get3A_23 = arith.constant 0 : index
    %get3A_24 = arith.constant 0 : index
    %get3A_25 = vector.load %arg5[%get3A_23, %get3A_24] : memref<1x10xf32, #tpu.memory_space<vmem>>, vector<1x10xf32>
    %get3A_26 = arith.constant 0 : index
    %get3A_27 = arith.constant 0 : index
    %get3A_28 = vector.load %arg7[%get3A_26, %get3A_27] : memref<1x64xf32, #tpu.memory_space<vmem>>, vector<1x64xf32>
    %mul3A_29 = arith.mulf %div3A_4, %mul3A_17 : vector<1x64xf32>
    %sub3A_30 = arith.subf %get3A_28, %mul3A_29 : vector<1x64xf32>
    %dot_general3A = arith.constant dense<0.000000e+00> : vector<1x10xf32>
    %dot_general3A_31 = tpu.matmul %sub3A_30, %get3A_20, %dot_general3A {dimension_numbers = #tpu.dot_dimension_numbers<[1], [1], [0], [0], [0, 0, 1, 0], [], []>, transpose_lhs_hint = false} : vector<1x64xf32>, vector<10x64xf32>, vector<1x10xf32> -> vector<1x10xf32>
    %add3A_32 = arith.addf %get3A_25, %dot_general3A_31 : vector<1x10xf32>
    %broadcast_in_dim3A = arith.constant 0.000000e+00 : f32
    %broadcast_in_dim3A_33 = vector.broadcast %broadcast_in_dim3A : f32 to vector<10x64xf32>
    %concatenate3A = tpu.concatenate %mul3A_22, %broadcast_in_dim3A_33 in 1 : vector<10x64xf32>, vector<10x64xf32> -> vector<10x128xf32>
    %concatenate3A_34 = tpu.concatenate %broadcast_in_dim3A_33, %mul3A_22 in 1 : vector<10x64xf32>, vector<10x64xf32> -> vector<10x128xf32>
    %concatenate3A_35 = tpu.concatenate %concatenate3A, %concatenate3A_34 in 0 : vector<10x128xf32>, vector<10x128xf32> -> vector<20x128xf32>
    %get3A_36 = arith.constant 0 : index
    %get3A_37 = arith.constant 0 : index
    %get3A_38 = vector.load %arg1[%get3A_36, %get3A_37] : memref<8x128xf32, #tpu.memory_space<vmem>>, vector<8x128xf32>
    %broadcast_in_dim3A_39 = vector.shape_cast %get3A_38 : vector<8x128xf32> to vector<8x1x128xf32>
    %get3A_40 = arith.constant 0 : index
    %get3A_41 = arith.constant 0 : index
    %get3A_42 = vector.load %arg2[%get3A_40, %get3A_41] : memref<512x128xf32, #tpu.memory_space<vmem>>, vector<512x128xf32>
    %broadcast_in_dim3A_43 = vector.shape_cast %get3A_42 : vector<512x128xf32> to vector<1x512x128xf32>
    %add3A_44 = vector.broadcast %broadcast_in_dim3A_39 : vector<8x1x128xf32> to vector<8x512x128xf32>
    %add3A_45 = vector.broadcast %broadcast_in_dim3A_43 : vector<1x512x128xf32> to vector<8x512x128xf32>
    %add3A_46 = arith.addf %add3A_44, %add3A_45 : vector<8x512x128xf32>
    %max3A = arith.constant 0.000000e+00 : f32
    %max3A_47 = vector.broadcast %max3A : f32 to vector<8x512x128xf32>
    %max3A_48 = arith.maximumf %add3A_46, %max3A_47 : vector<8x512x128xf32>
    %reshape3A = vector.shape_cast %max3A_48 : vector<8x512x128xf32> to vector<4096x128xf32>
    %dot_general3A_49 = arith.constant dense<0.000000e+00> : vector<4096x20xf32>
    %dot_general3A_50 = tpu.matmul %reshape3A, %concatenate3A_35, %dot_general3A_49 {dimension_numbers = #tpu.dot_dimension_numbers<[1], [1], [0], [0], [0, 0, 1, 0], [], []>, transpose_lhs_hint = false} : vector<4096x128xf32>, vector<20x128xf32>, vector<4096x20xf32> -> vector<4096x20xf32>
    %concatenate3A_51 = tpu.concatenate %add3A_32, %add3A_32 in 1 : vector<1x10xf32>, vector<1x10xf32> -> vector<1x20xf32>
    %add3A_52 = vector.broadcast %concatenate3A_51 : vector<1x20xf32> to vector<4096x20xf32>
    %add3A_53 = arith.addf %dot_general3A_50, %add3A_52 : vector<4096x20xf32>
    %slice3A_54 = vector.extract_strided_slice %add3A_53 {offsets = [0, 0], sizes = [4096, 10], strides = [1, 1]} : vector<4096x20xf32> to vector<4096x10xf32>
    %reduce_max3A = arith.constant dense<0xFF800000> : vector<4096xf32>
    %reduce_max3A_55 = vector.multi_reduction <maximumf>, %slice3A_54, %reduce_max3A [1] : vector<4096x10xf32> to vector<4096xf32>
    %broadcast_in_dim3A_56 = vector.shape_cast %reduce_max3A_55 : vector<4096xf32> to vector<4096x1xf32>
    %sub3A_57 = vector.broadcast %broadcast_in_dim3A_56 : vector<4096x1xf32> to vector<4096x10xf32>
    %sub3A_58 = arith.subf %slice3A_54, %sub3A_57 : vector<4096x10xf32>
    %exp3A = math.exp %sub3A_58 : vector<4096x10xf32>
    %reduce_sum3A = arith.constant dense<0.000000e+00> : vector<4096xf32>
    %reduce_sum3A_59 = vector.multi_reduction <add>, %exp3A, %reduce_sum3A [1] : vector<4096x10xf32> to vector<4096xf32>
    %broadcast_in_dim3A_60 = vector.shape_cast %reduce_sum3A_59 : vector<4096xf32> to vector<4096x1xf32>
    %log3A = math.log %broadcast_in_dim3A_60 : vector<4096x1xf32>
    %sub3A_61 = vector.broadcast %log3A : vector<4096x1xf32> to vector<4096x10xf32>
    %sub3A_62 = arith.subf %sub3A_58, %sub3A_61 : vector<4096x10xf32>
    %slice3A_63 = vector.extract_strided_slice %add3A_53 {offsets = [0, 10], sizes = [4096, 10], strides = [1, 1]} : vector<4096x20xf32> to vector<4096x10xf32>
    %reduce_max3A_64 = arith.constant dense<0xFF800000> : vector<4096xf32>
    %reduce_max3A_65 = vector.multi_reduction <maximumf>, %slice3A_63, %reduce_max3A_64 [1] : vector<4096x10xf32> to vector<4096xf32>
    %broadcast_in_dim3A_66 = vector.shape_cast %reduce_max3A_65 : vector<4096xf32> to vector<4096x1xf32>
    %sub3A_67 = vector.broadcast %broadcast_in_dim3A_66 : vector<4096x1xf32> to vector<4096x10xf32>
    %sub3A_68 = arith.subf %slice3A_63, %sub3A_67 : vector<4096x10xf32>
    %exp3A_69 = math.exp %sub3A_68 : vector<4096x10xf32>
    %reduce_sum3A_70 = arith.constant dense<0.000000e+00> : vector<4096xf32>
    %reduce_sum3A_71 = vector.multi_reduction <add>, %exp3A_69, %reduce_sum3A_70 [1] : vector<4096x10xf32> to vector<4096xf32>
    %broadcast_in_dim3A_72 = vector.shape_cast %reduce_sum3A_71 : vector<4096xf32> to vector<4096x1xf32>
    %log3A_73 = math.log %broadcast_in_dim3A_72 : vector<4096x1xf32>
    %sub3A_74 = vector.broadcast %log3A_73 : vector<4096x1xf32> to vector<4096x10xf32>
    %sub3A_75 = arith.subf %sub3A_68, %sub3A_74 : vector<4096x10xf32>
    %concatenate3A_76 = tpu.concatenate %sub3A_62, %sub3A_75 in 1 : vector<4096x10xf32>, vector<4096x10xf32> -> vector<4096x20xf32>
    %swap3A = arith.constant 0 : index
    %swap3A_77 = arith.constant 0 : index
    %swap3A_78 = vector.load %arg8[%swap3A, %swap3A_77] : memref<4096x20xf32, #tpu.memory_space<vmem>>, vector<4096x20xf32>
    tpu.vector_store %arg8[%swap3A, %swap3A_77], %concatenate3A_76 {strides = array<i32>} : memref<4096x20xf32, #tpu.memory_space<vmem>>, vector<4096x20xf32>,
    return
  }
  func.func @transform_0(%arg0: i32) -> (i32, i32) {
    %c0_i32 = arith.constant 0 : i32
    %c0_i32_0 = arith.constant 0 : i32
    return %arg0, %c0_i32 : i32, i32
  }
  func.func @transform_1(%arg0: i32) -> (i32, i32) {
    %c0_i32 = arith.constant 0 : i32
    %c0_i32_0 = arith.constant 0 : i32
    %c0_i32_1 = arith.constant 0 : i32
    return %c0_i32, %c0_i32_0 : i32, i32
  }
  func.func @transform_2(%arg0: i32) -> (i32, i32) {
    %c0_i32 = arith.constant 0 : i32
    %c0_i32_0 = arith.constant 0 : i32
    %c0_i32_1 = arith.constant 0 : i32
    return %c0_i32, %c0_i32_0 : i32, i32
  }
  func.func @transform_3(%arg0: i32) -> (i32, i32) {
    %c0_i32 = arith.constant 0 : i32
    %c0_i32_0 = arith.constant 0 : i32
    %c0_i32_1 = arith.constant 0 : i32
    return %c0_i32, %c0_i32_0 : i32, i32
  }
  func.func @transform_4(%arg0: i32) -> (i32, i32) {
    %c0_i32 = arith.constant 0 : i32
    %c0_i32_0 = arith.constant 0 : i32
    %c0_i32_1 = arith.constant 0 : i32
    return %c0_i32, %c0_i32_0 : i32, i32
  }
  func.func @transform_5(%arg0: i32) -> (i32, i32) {
    %c0_i32 = arith.constant 0 : i32
    %c0_i32_0 = arith.constant 0 : i32
    %c0_i32_1 = arith.constant 0 : i32
    return %c0_i32, %c0_i32_0 : i32, i32
  }
  func.func @transform_6(%arg0: i32) -> (i32, i32) {
    %c0_i32 = arith.constant 0 : i32
    %c0_i32_0 = arith.constant 0 : i32
    %c0_i32_1 = arith.constant 0 : i32
    return %c0_i32, %c0_i32_0 : i32, i32
  }
  func.func @transform_7(%arg0: i32) -> (i32, i32) {
    %c0_i32 = arith.constant 0 : i32
    %c0_i32_0 = arith.constant 0 : i32
    return %arg0, %c0_i32 : i32, i32
  }
}

</mosaic_0001>

<sc_bundles>
// kernel: sparse-core-data-format-call.cloned.1.call-start
scs
called_computation_lowered:
.L_overlay_start_0:
0x0: {  	s2 =	sld [smem:$0x3FD9]  }
0x1: {  	s3 =	sld [smem:$0x3FFE];
	_ =	sdelay $0x1  }
0x2: {  	s1 =	srdreg.scid  }
0x3: {  	s0 =	sand.u32 $0x1, s1  }
0x4: {  	s15 =	sshll.u32 s0, $0xA;
	s2 =	sadd.s32 s3, s2  }
0x5: {  	s2 =	sadd.s32 s2, s15  }
0x6: {  	[smem:$0x3FAE] =	sst s2  }
0x7: {  	_ = 	snop  }
0x8: {  	s2 =	sld [smem:$0x3FD0];
	_ =	sdelay $0x2  }
0x9: {  	s16 =	simm.s32 $0xA;
	s4 =	simm.s32 $0x10  }
0xa: {  	[smem:s4], [sflag:s16] =	dma.local [hbm:s2], $0x1  }
0xb: {  	_ =	swait.eq [sflag:s16], $0x1  }
0xc: {  	[sflag:s16] =	ssyncset.done $0x0  }
0xd: {  	[sflag:s16] =	ssyncadd.s32 $0xFFFFFFFF  }
0xe: {  	s17 =	sld [smem:$0x12];
	(tm) =	ssettm $0x1  }
0xf: {  	s18 =	sld [smem:$0x3FFB];
	_ =	sdelay $0x3  }
0x10: {  	_ =	strace s18  }
0x11: {  	s3 =	sld [smem:$0x3FFC];
	_ =	sdelay $0x3  }
0x12: {  	_ =	strace s3  }
0x13: {  	s3 =	sld [smem:$0x3FFD];
	_ =	sdelay $0x3  }
0x14: {  	_ =	strace s3  }
0x15: {  	_ =	strace $0x8FFFFFFF  }
0x16: {  	s19 =	sld [smem:$0x3FDB];
	_ =	sdelay $0x1  }
0x17: {  	s20 =	simm.s32 $_scs_section_size  }
0x18: {  	s5 =	simm.s32 $_size__tile_overlayer_lowered;
	s6 =	simm.s32 $_tile_overlayer_lowered  }
0x19: {  	s23 =	simm.s32 $0x1BFF;
	s22 =	sshll.u32 s6, $0x1;
	s3 =	sadd.s32 s20, s19  }
0x1a: {  	s7 =	simm.s32 $0x0;
	s21 =	sshll.u32 s5, $0x1;
	s5 =	sadd.s32 s22, s3  }
0x1b: {  	[timem:s7], [sflag:s23] =	dma.local [hbm:s5], s21  }
0x1c: {  	_ =	swait.ge [sflag:s23], s21  }
0x1d: {  	s4 =	ssub.s32 $0x0, s21;
	[sflag:s23] =	ssyncset.done $0x0  }
0x1e: {  	[sflag:s23] =	ssyncadd.s32 s4;
	_ =	sdelay $0x1  }
0x1f: {  	s24 =	simm.s32 $0x1B8B  }
0x20: {  	_ =	swait.ge [sflag:s24], $0x1  }
0x21: {  	[sflag:s24] =	ssyncset.done $0x0  }
0x22: {  	s26 =	simm.s32 $0x1B8E;
	s25 =	sld [smem:$0x3FFE];
	[sflag:s24] =	ssyncadd.s32 $0xFFFFFFFF  }
0x23: {  	s27 =	simm.s32 $execute0_lowered;
	[smem:$0x3FD2] =	sst s26  }
0x24: {  	s5 =	sshll.u32 s27, $0x1;
	_ =	strace $0x80000046;
	[dreg:$0x1] =	wrdreg $0xFFFFFFFF  }
0x25: {  	s28 =	simm.s32 $_size_execute0_lowered;
	s3 =	sadd.s32 s3, s5;
	[dreg:$0x0] =	wrdreg $0x0  }
0x26: {  	s5 =	sshll.u32 s28, $0x1;
	[dreg:$0x2] =	wrdreg s3  }
0x27: {  	[dreg:$0x3] =	wrdreg s5  }
0x28: {  	[dreg:$0x4] =	wrdreg $0xC0  }
0x29: {  	_ =	task [dreg:s7], $0x5FFFF  }
0x2a: {  	[dreg:$0x1] =	wrdreg $0xFFFFFFFF  }
0x2b: {  	[dreg:$0x0] =	wrdreg $0x60  }
0x2c: {  	[dreg:$0x2] =	wrdreg s25  }
0x2d: {  	[dreg:$0x3] =	wrdreg s17  }
0x2e: {  	[dreg:$0x4] =	wrdreg $0x9  }
0x2f: {  	_ =	task.clear_ibuf [dreg:s7], $0x5FFFF;
	_ =	strace $0x90000046  }
0x30: {  	s29 =	simm.s32 $0x9;
	_ =	strace $0x80000048  }
0x31: {  	_ =	swait.ge [sflag:s29], $0x1  }
0x32: {  	[sflag:s29] =	ssyncadd.s32 $0xFFFFFFFF  }
0x33: {  	_ =	strace $0x90000048  }
0x34: {  	_ =	sfence  }
0x35: {  	s30 =	sld [smem:$0x0];
	_ =	sdelay $0x2  }
0x36: {  	s31 =	sshll.u32 s1, $0xD;
	s1 =	sshrl.u32 s1, $0x2  }
0x37: {  	s3 =	sand.u32 $0x4000, s31;
	s1 =	sadd.s32 s1, s30  }
0x38: {  	s0 =	sor.u32 s3, s0;
	s1 =	sshll.u32 s1, $0x11  }
0x39: {  	s0 =	sor.u32 s1, s0  }
0x3a: {  	s0 =	sadd.s32 $0x8F2B, s0  }
0x3b: {  	[sflag:s0] =	ssyncadd.remote.s32 $0x1  }
0x3c: {  	_ =	sfence.sel $0xFFFF  }
0x3d: {  	[dreg:$0x0] =	wrdreg $0xFFFFFFFF;
	(pc) =	sbr.abs _section_cstart, $3  }
0x3e: {  	[dreg:$0x1] =	wrdreg $0xFFFFFFFF  }
0x3f: {  	_ =	task.clear_ibuf [dreg:s7], $0x2FFFF;
	_ =	strace $0x9FFFFFFF  }
0x40: {  	(tm) =	ssettm $0x7FFFFFFF  }
0x41: {  	_ =	shalt  }
tec
execute0_lowered:
.L_overlay_start_1:
0x0: {  	(tag) =	ssettag $0x1  }
0x1: {  	s0 =	srdreg.scid  }
0x2: {  	s1 =	sshll.u32 s0, $0x4  }
0x3: {  	s4 =	rddreg [dreg:$0x0];
	s0 =	stileid.u32;
	s1 =	sand.u32 $0x10, s1  }
0x4: {  	s2 =	rddreg [dreg:$0x1];
	s7 =	simm.s32 $0x1;
	s1 =	sor.u32 s0, s1  }
0x5: {  	s8 =	simm.s32 $0x2;
	s11 =	simm.s32 $0x0;
	s3 =	sshll.u32 s1, $0x7  }
0x6: {  	s10 =	simm.s32 $0x0;
	s4 =	sadd.s32 $0x80BE00, s4;
	s6 =	ssub.s32 $0x100000, s3  }
.Ltmp0:
0x7: {  	s1 =	rddreg [dreg:$0x2];
	s5 =	sand.u32 $0xF80, s6;
	(pc) =	sbr.rel .LBB1_1-.Ltmp0, $4  }
0x8: {  	_ =	strace $0x80000047;
	s9 =	smov.u32 s3;
	p0 =	sne.s32 s5, $0x0  }
0x9: {  	s6 =	sshrl.u32 s6, $0xC;
	s5 =	simm.s32 $0x1;
	s7 =	simm.s32 @!p0 $0x0  }
0xa: {  	[sflag:s5] =	ssyncpa.u1 $0x0;
	p0 =	por $0x0, $0x0;
	s6 =	sadd.s32 s7, s6  }
0xb: {  	[sflag:s8] =	ssyncpa.u1 $0x0;
	s8 =	simm.s32 $0x800000;
	s7 =	sadd.s32 $0x1, s6  }
.LBB1_4:
0xc: {  	[tilespmem:s12+$0xFFFFFFFC ss:$0x81] =	vst.msk $0xffff, v2;
	s14 =	sshll.u32 s11, $0x3  }
0xd: {  	[tilespmem:s12+$0xFFFFFFFD ss:$0x81] =	vst.msk $0xffff, v3;
	s15 =	sand.u32 $0x78, s11;
	s14 =	sand.u32 $0xFFC00, s14  }
0xe: {  	[tilespmem:s12+$0xFFFFFFFE ss:$0x81] =	vst.msk $0xffff, v1;
	s29 =	sand.u32 $0x1E0000, s11;
	s30 =	sand.u32 $0x7, s11;
	s14 =	sor.u32 s15, s14  }
0xf: {  	[tilespmem:s12+$0xFFFFFFFF ss:$0x81] =	vst.msk $0xffff, v4;
	s11 =	sshll.u32 s30, $0x12;
	s15 =	sadd.s32 s2, s29;
	s14 =	sshrl.u32 s14, $0x3  }
0x10: {  	[tilespmem:s12+$0xFFFFFFF9 ss:$0x81] =	vst.msk $0xffff, v0;
	s11 =	sor.u32 $0x400, s11;
	s31 =	sadd.s32 s14, s15  }
0x11: {  	[hbm4b:s31+s11] =	stream.strided.scatter [tilespmem:s13], [sflag:$0x2], $0x800, s8, s11, $0x20;
	[tilespmem:$0x2020] =	vst v63  }
.LBB1_5:
0x12: {  	s13 =	sadd.s32 $0x1000, s9  }
0x13: {  	p2 =	sgt.s32 s13, $0xFFFFF  }
0x14: {  	s13 =	smov.u32 @p2 s3;
	p2 =	sne.s32 s10, s7  }
.Ltmp1:
0x15: {  	p1 =	slt.u32 s10, $0x2;
	(pc) =	sbr.rel @!p2 .LBB1_6-.Ltmp1, $4  }
0x16: {  	s12 =	simm.s32 @!p1 $0x2  }
0x17: {  	s14 =	sadd.s32 $0x1, s10;
	_ =	swait.ge @!p1 [sflag:s12], $0x800  }
0x18: {  	s11 =	smov.u32 s9;
	p0 =	por !p0, !p0;
	[sflag:s12] =	ssyncset.done @!p1 $0x0  }
0x19: {  	s10 =	smov.u32 s14;
	s9 =	smov.u32 s13;
	[sflag:s12] =	ssyncadd.s32 @!p1 $0xFFFFF800  }
.LBB1_1:
0x1a: {  	p1 =	sge.u32 s10, s6  }
0x1b: {  	s31 =	sadd.s32 $0xFFFFFFFF, s10;
	s12 =	sxor.u32 @!p1 $0xFFFFFFFF, s10;
	s13 =	sshll.u32 @!p1 s9, $0x4  }
0x1c: {  	s14 =	simm.s32 @!p1 $0x10;
	s12 =	sshll.u32 @!p1 s12, $0xB;
	s13 =	sand.u32 @!p1 $0xFFFFF0, s13  }
0x1d: {  	s15 =	simm.s32 @!p1 $0x80;
	s12 =	sand.u32 @!p1 $0x800, s12;
	s13 =	sadd.s32 @!p1 s4, s13  }
0x1e: {  	[tilespmem:s12], [sflag:$0x1] =	stream.strided.gather @!p1 [hbm4b:s13+s14], $0x800, s15, s14, $0x38;
	[tilespmem:$0x2020] =	vst v63  }
0x1f: {  	p1 =	sge.u32 s31, s6  }
.Ltmp2:
0x20: {  	_ = 	snop;
	(pc) =	sbr.rel @p1 .LBB1_5-.Ltmp2, $1  }
0x21: {  	_ =	sdelay $0x3  }
0x22: {  	s12 =	simm.s32 $0x1  }
0x23: {  	_ =	swait.ge [sflag:s5], $0x800;
	s12 =	simm.s32 @!p0 $0x0  }
0x24: {  	[sflag:s5] =	ssyncset.done $0x0;
	s13 =	sshll.u32 s12, $0xB  }
0x25: {  	[sflag:s5] =	ssyncadd.s32 $0xFFFFF800;
	s15 =	sor.u32 $0x40, s13  }
0x26: {  	v0 =	vld [tilespmem:s15+$0x30]  }
0x27: {  	s12 =	smul.u32 $0x2040, s12;
	v4 =	vld [tilespmem:s15+$0xFFFFFFD0]  }
0x28: {  	v5 =	vld [tilespmem:s15+$0xFFFFFFE0]  }
0x29: {  	s31 =	sand.u32 $0x1, s10;
	s12 =	sshrl.u32 s12, $0x2;
	v2 =	vld [tilespmem:s15+$0xFFFFFFF0]  }
0x2a: {  	s13 =	smul.u32 $0x2040, s31;
	v3 =	vld [tilespmem:s15+$0x0];
	s12 =	sor.u32 $0x1007, s12  }
0x2b: {  	v1 =	vld [tilespmem:s15+$0x10];
	[tilespmem:s12+$0x0 ss:$0x81] =	vst.msk $0xffff, v0  }
0x2c: {  	s13 =	sshrl.u32 s13, $0x2;
	[tilespmem:s12+$0xFFFFFFFA ss:$0x81] =	vst.msk $0xffff, v4;
	v4 =	vld [tilespmem:s15+$0x20]  }
0x2d: {  	s14 =	simm.s32 $0x0;
	s13 =	sor.u32 $0x1000, s13;
	v0 =	vld [tilespmem:s15+$0xFFFFFFC0];
	[tilespmem:s12+$0xFFFFFFFB ss:$0x81] =	vst.msk $0xffff, v5;
	s15 =	sadd.s32 $0x80, s15  }
.LBB1_3:
0x2e: {  	v5 =	vld [tilespmem:s15+$0x30];
	s14 =	sadd.s32 $0x8, s14;
	[tilespmem:s12+$0xFFFFFFFC ss:$0x81] =	vst.msk $0xffff, v2  }
0x2f: {  	v6 =	vld [tilespmem:s15+$0xFFFFFFD0];
	p1 =	slt.u32 s14, $0x78;
	[tilespmem:s12+$0xFFFFFFFD ss:$0x81] =	vst.msk $0xffff, v3  }
0x30: {  	v7 =	vld [tilespmem:s15+$0xFFFFFFE0];
	[tilespmem:s12+$0xFFFFFFFE ss:$0x81] =	vst.msk $0xffff, v1  }
.Ltmp3:
0x31: {  	v2 =	vld [tilespmem:s15+$0xFFFFFFF0];
	[tilespmem:s12+$0xFFFFFFFF ss:$0x81] =	vst.msk $0xffff, v4;
	(pc) =	sbr.rel @p1 .LBB1_3-.Ltmp3, $4  }
0x32: {  	v3 =	vld [tilespmem:s15+$0x0];
	[tilespmem:s12+$0xFFFFFFF9 ss:$0x81] =	vst.msk $0xffff, v0;
	s12 =	sadd.s32 $0x8, s12  }
0x33: {  	v1 =	vld [tilespmem:s15+$0x10];
	[tilespmem:s12+$0x0 ss:$0x81] =	vst.msk $0xffff, v5  }
0x34: {  	[tilespmem:s12+$0xFFFFFFFA ss:$0x81] =	vst.msk $0xffff, v6;
	v4 =	vld [tilespmem:s15+$0x20]  }
0x35: {  	v0 =	vld [tilespmem:s15+$0xFFFFFFC0];
	[tilespmem:s12+$0xFFFFFFFB ss:$0x81] =	vst.msk $0xffff, v7;
	s15 =	sadd.s32 $0x80, s15  }
.Ltmp4:
0x36: {  	_ = 	snop;
	(pc) =	sbr.rel .LBB1_4-.Ltmp4, $1  }
0x37: {  	_ =	sdelay $0x3  }
.LBB1_6:
0x38: {  	_ =	sfence.sel $0x180000  }
0x39: {  	s2 =	simm.s32 $0x1;
	[bflag:$0x0] =	sbarrier.arrive $0xFFFF  }
0x3a: {  	s31 =	simm.s32 $0x2;
	[sflag:s2] =	ssyncpa.u1 $0x1  }
0x3b: {  	[sflag:s31] =	ssyncpa.u1 $0x1  }
0x3c: {  	p0 =	sne.s32 s0, $0x0;
	_ =	strace $0x90000047  }
0x3d: {  	s0 =	sadd.s32 @!p0 $0x100000, s1;
	[bflag:$0x2] =	sbarrier.arrive $0xFFFF  }
0x3e: {  	[sflag:s0] =	ssyncadd.tile.s32 @!p0 $0x1;
	_ =	shalt  }
.Lfunc_end1:
_tile_overlayer_lowered:
.L_overlay_start_2:
0x3f: {  	(tag) =	ssettag $0x2  }
0x40: {  	s0 =	rddreg [dreg:$0x0];
	s2 =	stileid.u32  }
0x41: {  	s1 =	rddreg [dreg:$0x1];
	p0 =	sne.s32 s2, $0x0  }
0x42: {  	s3 =	rddreg [dreg:$0x2];
	[bflag:$0x3] =	sbarrier.arrive $0xFFFF;
	s2 =	simm.s32 @!p0 $0x1C01  }
0x43: {  	[timem:s3], [sflag:s2] =	dma.local @!p0 [hbm:s0], s1  }
0x44: {  	s0 =	simm.s32 @!p0 $0x1  }
0x45: {  	_ =	swait.ge @!p0 [sflag:s0], s1  }
0x46: {  	s1 =	ssub.s32 @!p0 $0x0, s1;
	[sflag:s0] =	ssyncset.done @!p0 $0x0  }
0x47: {  	[sflag:s0] =	ssyncadd.s32 @!p0 s1  }
0x48: {  	[bflag:$0x3] =	sbarrier.arrive $0xFFFF  }
0x49: {  	_ =	shalt  }

</sc_bundles>
